<compile_context>
chip_gen: v7x
topology: tpu7x:2x2x1
jax: 0.10.2.dev20260603
libtpu: 0.0.44.dev20260713+nightly
codegen_flags: <defaults>
</compile_context>

<pallas_src>
import functools

import jax
import jax.numpy as jnp
from jax import lax
from jax.experimental import pallas as pl
from jax.experimental.pallas import tpu as pltpu
from jax.experimental.pallas import tpu_sc as plsc

_B = 16384
_NC = 2
_NS = 16
_NW = _NC * _NS
_BPW = _B // _NW

_D_USER = 32
_D_CAT = 16
_NUSER = 1000000
_NCAT = 1000
_UGRP = 128 // _D_USER
_CGRP = 128 // _D_CAT

_TLB = 8192
_TNB = (_NUSER + _TLB - 1) // _TLB


def _tc_transpose(ut, eye32):
    def body(in_r, i_r, out_r):
        y = lax.dot_general(
            in_r[...], i_r[...], (((0,), (0,)), ((), ())),
            preferred_element_type=jnp.float32)
        out_r[:, 0:_D_USER] = y

    return pl.pallas_call(
        body,
        grid=(_TNB,),
        in_specs=[pl.BlockSpec((_D_USER, _TLB), lambda i: (0, i)),
                  pl.BlockSpec((_D_USER, _D_USER), lambda i: (0, 0))],
        out_specs=pl.BlockSpec((_TLB, 128), lambda i: (i, 0)),
        out_shape=jax.ShapeDtypeStruct((_NUSER, 128), jnp.float32),
        compiler_params=pltpu.CompilerParams(
            dimension_semantics=("parallel",)),
    )(ut, eye32)


def _sc_gather(user4, cat8, qrow, arow, crow):
    mesh = plsc.VectorSubcoreMesh(core_axis_name="c", subcore_axis_name="s")
    out_type = (
        jax.ShapeDtypeStruct((_NW, _BPW, 128), jnp.float32),
        jax.ShapeDtypeStruct((_NW, _BPW, 128), jnp.float32),
        jax.ShapeDtypeStruct((_NW, _BPW, 128), jnp.float32),
    )

    @functools.partial(
        pl.kernel,
        out_type=out_type,
        mesh=mesh,
        scratch_types=[
            pltpu.VMEM((_BPW,), jnp.int32),
            pltpu.VMEM((_BPW,), jnp.int32),
            pltpu.VMEM((_BPW,), jnp.int32),
            pltpu.VMEM((_BPW, 128), jnp.float32),
            pltpu.SemaphoreType.DMA,
        ],
        compiler_params=pltpu.CompilerParams(use_tc_tiling_on_sc=True),
    )
    def sc_k(u4_h, c8_h, qi_h, ai_h, ci_h, oq, oa, oc,
             qi_v, ai_v, ci_v, rows_v, sem):
        wid = lax.axis_index("s") * _NC + lax.axis_index("c")
        pltpu.sync_copy(qi_h.at[wid], qi_v)
        pltpu.sync_copy(ai_h.at[wid], ai_v)
        pltpu.sync_copy(ci_h.at[wid], ci_v)
        pltpu.async_copy(u4_h.at[qi_v], rows_v, sem).wait()
        pltpu.sync_copy(rows_v, oq.at[wid])
        pltpu.async_copy(u4_h.at[ai_v], rows_v, sem).wait()
        pltpu.sync_copy(rows_v, oa.at[wid])
        pltpu.async_copy(c8_h.at[ci_v], rows_v, sem).wait()
        pltpu.sync_copy(rows_v, oc.at[wid])

    return sc_k(user4, cat8, qrow, arow, crow)


_BS = _BPW
_NBLK = _B // _BS


def _onehot(idx2, n):
    return (idx2 == lax.broadcasted_iota(jnp.int32, (1, n), 1)).astype(jnp.float32)


def _extract(groups, sub, d):
    out = jnp.zeros((groups.shape[0], d), jnp.float32)
    for k in range(128 // d):
        m = (sub == k).astype(jnp.float32)
        out = out + m * groups[:, k * d:(k + 1) * d]
    return out


def _dot(a, b):
    return lax.dot_general(
        a, b, (((1,), (0,)), ((), ())),
        preferred_element_type=jnp.float32)


def _tc_body(qg_r, ag_r, cg_r, numq_r, idx8_r,
             eg_r, eh_r, ew_r, wq1_r, bq1_r, wq2_r, bq2_r,
             wa1_r, ba1_r, wa2_r, ba2_r, qo_r, ao_r):
    idx8 = idx8_r[0]
    wq1 = wq1_r[...]
    f_gen_q = _dot(eg_r[...], wq1[32:40, :])
    f_hour = _dot(eh_r[...], wq1[56:64, :])
    f_week = _dot(ew_r[...], wq1[64:72, :])
    f_gen_a = _dot(eg_r[...], wa1_r[...][32:40, :])

    quser = qg_r[0][:, 0:_D_USER]
    auser = ag_r[0][:, 0:_D_USER]
    cvec = cg_r[0][:, 0:_D_CAT]

    qpre = (_dot(quser, wq1[0:32, :])
            + _dot(_onehot(idx8[:, 2:3], 8), f_gen_q)
            + _dot(cvec, wq1[40:56, :])
            + _dot(_onehot(idx8[:, 0:1], 24), f_hour)
            + _dot(_onehot(idx8[:, 1:2], 7), f_week)
            + _dot(numq_r[...], wq1[72:88, :])
            + bq1_r[...])
    qh = jnp.maximum(qpre, 0.0)
    qo_r[...] = _dot(qh, wq2_r[...]) + bq2_r[...]

    apre = (_dot(auser, wa1_r[...][0:32, :])
            + _dot(_onehot(idx8[:, 3:4], 8), f_gen_a)
            + ba1_r[...])
    ah = jnp.maximum(apre, 0.0)
    ao_r[...] = _dot(ah, wa2_r[...]) + ba2_r[...]


def _tc_mlp(qg, ag, cg, num_q, idx8,
            emb_gen, emb_hour, emb_week,
            Wq1, bq1, Wq2, bq2, Wa1, ba1, Wa2, ba2):
    bspec = lambda d: pl.BlockSpec((_BS, d), lambda i: (i, 0))
    gspec = pl.BlockSpec((1, _BPW, 128), lambda i: (i, 0, 0))
    ispec = pl.BlockSpec((1, _BS, 8), lambda i: (i, 0, 0))
    full = lambda s: pl.BlockSpec(s, lambda i: (0,) * len(s))
    return pl.pallas_call(
        _tc_body,
        grid=(_NBLK,),
        in_specs=[
            gspec, gspec, gspec, bspec(16),
            ispec,
            full((8, 8)), full((24, 8)), full((7, 8)),
            full((88, 128)), full((1, 128)), full((128, 128)), full((1, 128)),
            full((40, 128)), full((1, 128)), full((128, 128)), full((1, 128)),
        ],
        out_specs=[bspec(128), bspec(128)],
        out_shape=[
            jax.ShapeDtypeStruct((_B, 128), jnp.float32),
            jax.ShapeDtypeStruct((_B, 128), jnp.float32),
        ],
        compiler_params=pltpu.CompilerParams(
            dimension_semantics=("parallel",)),
    )(qg, ag, cg, num_q, idx8,
      emb_gen, emb_hour, emb_week,
      Wq1, bq1, Wq2, bq2, Wa1, ba1, Wa2, ba2)


def kernel(cat_q, num_q, question_user, num_qu, answer_user, num_au,
           emb_user, emb_gen, emb_cat, emb_hour, emb_week,
           Wq1, bq1, Wq2, bq2, Wa1, ba1, Wa2, ba2):
    del num_qu, num_au
    cat = cat_q[:, 0]
    hour = cat_q[:, 1]
    week = cat_q[:, 2]
    q_uid = question_user[:, 0]
    q_gen = question_user[:, 1]
    a_uid = answer_user[:, 0]
    a_gen = answer_user[:, 1]

    user4 = _tc_transpose(emb_user.T, jnp.eye(_D_USER, dtype=jnp.float32))
    cat8 = jnp.pad(emb_cat, ((0, 0), (0, 128 - _D_CAT)))
    qg, ag, cg = _sc_gather(
        user4, cat8,
        q_uid.reshape(_NW, _BPW),
        a_uid.reshape(_NW, _BPW),
        cat.reshape(_NW, _BPW))

    idx8 = jnp.stack(
        [hour, week, q_gen, a_gen, hour, week, q_gen, a_gen],
        axis=1).reshape(_NBLK, _BS, 8)

    q_out, a_out = _tc_mlp(
        qg, ag, cg, num_q, idx8,
        emb_gen, emb_hour, emb_week,
        Wq1, bq1.reshape(1, 128), Wq2, bq2.reshape(1, 128),
        Wa1, ba1.reshape(1, 128), Wa2, ba2.reshape(1, 128))
    return (q_out, a_out)

# --- scband reference (transcript-rebuilt; emitter-appended) ---
"""Pipeline reference for scband-user-category-model-91268055040083 (READ-ONLY COPY).

The authoritative reference and input builder live on the scoring server;
editing this copy changes nothing except your own understanding.
"""

import jax, jax.numpy as jnp
import numpy as np

NUM_USER = 1000000
NUM_CAT = 1000
NUM_GEN = 8
D_USER = 32
D_CAT = 16
D_GEN = 8
D_HOUR = 8
D_WEEK = 8
D_NUM = 16
D_OUT = 128
B = 16384


def setup_inputs(seed: int = 0) -> dict:
    key = jax.random.key(seed)
    ks = jax.random.split(key, 24)
    cat = jax.random.randint(ks[0], (B,), 0, NUM_CAT, dtype=jnp.int32)
    hour = jax.random.randint(ks[1], (B,), 0, 24, dtype=jnp.int32)
    week = jax.random.randint(ks[2], (B,), 0, 7, dtype=jnp.int32)
    cat_q = jnp.stack([cat, hour, week], axis=1)
    q_uid = jax.random.randint(ks[3], (B,), 0, NUM_USER, dtype=jnp.int32)
    q_gen = jax.random.randint(ks[4], (B,), 0, NUM_GEN, dtype=jnp.int32)
    question_user = jnp.stack([q_uid, q_gen], axis=1)
    a_uid = jax.random.randint(ks[5], (B,), 0, NUM_USER, dtype=jnp.int32)
    a_gen = jax.random.randint(ks[6], (B,), 0, NUM_GEN, dtype=jnp.int32)
    answer_user = jnp.stack([a_uid, a_gen], axis=1)
    num_q = jax.random.normal(ks[7], (B, D_NUM), dtype=jnp.float32)
    num_qu = jax.random.normal(ks[8], (B, D_NUM), dtype=jnp.float32)
    num_au = jax.random.normal(ks[9], (B, D_NUM), dtype=jnp.float32)
    emb_user = jax.random.normal(ks[10], (NUM_USER, D_USER), dtype=jnp.float32) * 0.02
    emb_gen = jax.random.normal(ks[11], (NUM_GEN, D_GEN), dtype=jnp.float32) * 0.02
    emb_cat = jax.random.normal(ks[12], (NUM_CAT, D_CAT), dtype=jnp.float32) * 0.02
    emb_hour = jax.random.normal(ks[13], (24, D_HOUR), dtype=jnp.float32) * 0.02
    emb_week = jax.random.normal(ks[14], (7, D_WEEK), dtype=jnp.float32) * 0.02
    d_qin = D_USER + D_GEN + D_CAT + D_HOUR + D_WEEK + D_NUM
    d_ain = D_USER + D_GEN
    Wq1 = jax.random.normal(ks[15], (d_qin, D_OUT), dtype=jnp.float32) * 0.05
    bq1 = jnp.zeros((D_OUT,), dtype=jnp.float32)
    Wq2 = jax.random.normal(ks[16], (D_OUT, D_OUT), dtype=jnp.float32) * 0.05
    bq2 = jnp.zeros((D_OUT,), dtype=jnp.float32)
    Wa1 = jax.random.normal(ks[17], (d_ain, D_OUT), dtype=jnp.float32) * 0.05
    ba1 = jnp.zeros((D_OUT,), dtype=jnp.float32)
    Wa2 = jax.random.normal(ks[18], (D_OUT, D_OUT), dtype=jnp.float32) * 0.05
    ba2 = jnp.zeros((D_OUT,), dtype=jnp.float32)
    return {
        "cat_q": cat_q, "num_q": num_q, "question_user": question_user,
        "num_qu": num_qu, "answer_user": answer_user, "num_au": num_au,
        "emb_user": emb_user, "emb_gen": emb_gen, "emb_cat": emb_cat,
        "emb_hour": emb_hour, "emb_week": emb_week,
        "Wq1": Wq1, "bq1": bq1, "Wq2": Wq2, "bq2": bq2,
        "Wa1": Wa1, "ba1": ba1, "Wa2": Wa2, "ba2": ba2,
    }


def reference(cat_q, num_q, question_user, num_qu, answer_user, num_au,
              emb_user, emb_gen, emb_cat, emb_hour, emb_week,
              Wq1, bq1, Wq2, bq2, Wa1, ba1, Wa2, ba2):
    category = cat_q[:, 0]
    hour = cat_q[:, 1]
    week = cat_q[:, 2]
    quser_vec = jnp.take(emb_user, question_user[:, 0], axis=0)
    qgen_vec = jnp.take(emb_gen, question_user[:, 1], axis=0)
    c_vec = jnp.take(emb_cat, category, axis=0)
    h_vec = jnp.take(emb_hour, hour, axis=0)
    w_vec = jnp.take(emb_week, week, axis=0)
    auser_vec = jnp.take(emb_user, answer_user[:, 0], axis=0)
    agen_vec = jnp.take(emb_gen, answer_user[:, 1], axis=0)
    q_feature = jnp.concatenate([quser_vec, qgen_vec, c_vec, h_vec, w_vec, num_q], axis=1)
    a_feature = jnp.concatenate([auser_vec, agen_vec], axis=1)
    q_hidden = jax.nn.relu(jnp.dot(q_feature, Wq1) + bq1)
    q_out = jnp.dot(q_hidden, Wq2) + bq2
    a_hidden = jax.nn.relu(jnp.dot(a_feature, Wa1) + ba1)
    a_out = jnp.dot(a_hidden, Wa2) + ba2
    return (q_out, a_out)

if __name__ == "__main__":
    import jax
    _d = setup_inputs()
    print(jax.jit(kernel)(*tuple(_d.values())))

</pallas_src>

<mosaic_0001>
#map = affine_map<(d0, d1) -> (0, 0)>
#map1 = affine_map<(d0, d1) -> (0, 0, 0)>
module attributes {stable_mosaic.version = 14 : i64} {
  func.func @sc_k(%arg0: i32, %arg1: i32, %arg2: memref<1000000x128xf32, #tpu.memory_space<hbm>>, %arg3: memref<1000x128xf32, #tpu.memory_space<hbm>>, %arg4: memref<32x512xi32, #tpu.memory_space<hbm>>, %arg5: memref<32x512xi32, #tpu.memory_space<hbm>>, %arg6: memref<32x512xi32, #tpu.memory_space<hbm>>, %arg7: memref<32x512x128xf32, #tpu.memory_space<hbm>>, %arg8: memref<32x512x128xf32, #tpu.memory_space<hbm>>, %arg9: memref<32x512x128xf32, #tpu.memory_space<hbm>>, %arg10: memref<512xi32, #tpu.memory_space<vmem>>, %arg11: memref<512xi32, #tpu.memory_space<vmem>>, %arg12: memref<512xi32, #tpu.memory_space<vmem>>, %arg13: memref<512x128xf32, #tpu.memory_space<vmem>>, %arg14: memref<!tpu.dma_semaphore, #tpu.memory_space<semaphore_mem>>) attributes {dimension_semantics = [#tpu.dimension_semantics<core_parallel>, #tpu.dimension_semantics<subcore_parallel>], iteration_bounds = array<i64: 2, 16>, scalar_prefetch = 0 : i64, scratch_operands = 5 : i64, tpu.core_type = #tpu.core_type<sc_vector_subcore>, window_params = [{transform_indices = #map}, {transform_indices = #map}, {transform_indices = #map}, {transform_indices = #map}, {transform_indices = #map}, {transform_indices = #map1}, {transform_indices = #map1}, {transform_indices = #map1}]} {
    %mul3A = arith.constant 2 : i32
    %mul3A_0 = arith.muli %arg1, %mul3A : i32
    %add3A = arith.addi %mul3A_0, %arg0 : i32
    "tpu.region"() ({
      %run_scoped3A = tpu.sem_alloc : memref<!tpu.dma_semaphore, #tpu.memory_space<semaphore_mem>>
      %dma_start3A_17 = arith.constant 0 : i32
      %dma_start3A_18 = tpu.memref_slice %arg4[%add3A, %dma_start3A_17] : memref<32x512xi32, #tpu.memory_space<hbm>> -> memref<1x512xi32, #tpu.memory_space<hbm>>
      %dma_start3A_19 = tpu.memref_squeeze %dma_start3A_18 : memref<1x512xi32, #tpu.memory_space<hbm>> -> memref<512xi32, #tpu.memory_space<hbm>>
      %dma_start3A_20 = arith.constant 0 : i32
      %dma_start3A_21 = tpu.memref_slice %arg4[%add3A, %dma_start3A_20] : memref<32x512xi32, #tpu.memory_space<hbm>> -> memref<1x512xi32, #tpu.memory_space<hbm>>
      %dma_start3A_22 = tpu.memref_squeeze %dma_start3A_21 : memref<1x512xi32, #tpu.memory_space<hbm>> -> memref<512xi32, #tpu.memory_space<hbm>>
      tpu.enqueue_dma source(%dma_start3A_22 : memref<512xi32, #tpu.memory_space<hbm>>) target(%arg10 : memref<512xi32, #tpu.memory_space<vmem>>) target_semaphore(%run_scoped3A : memref<!tpu.dma_semaphore, #tpu.memory_space<semaphore_mem>>)
      %dma_wait3A_23 = arith.constant 0 : i32
      %dma_wait3A_24 = tpu.memref_slice %arg4[%add3A, %dma_wait3A_23] : memref<32x512xi32, #tpu.memory_space<hbm>> -> memref<1x512xi32, #tpu.memory_space<hbm>>
      %dma_wait3A_25 = tpu.memref_squeeze %dma_wait3A_24 : memref<1x512xi32, #tpu.memory_space<hbm>> -> memref<512xi32, #tpu.memory_space<hbm>>
      %dma_wait3A_26 = arith.constant 0 : i32
      %dma_wait3A_27 = tpu.memref_slice %arg4[%add3A, %dma_wait3A_26] : memref<32x512xi32, #tpu.memory_space<hbm>> -> memref<1x512xi32, #tpu.memory_space<hbm>>
      %dma_wait3A_28 = tpu.memref_squeeze %dma_wait3A_27 : memref<1x512xi32, #tpu.memory_space<hbm>> -> memref<512xi32, #tpu.memory_space<hbm>>
      tpu.wait_dma2 semaphore(%run_scoped3A : memref<!tpu.dma_semaphore, #tpu.memory_space<semaphore_mem>>) src(%dma_wait3A_28 : memref<512xi32, #tpu.memory_space<hbm>>) dst(%arg10 : memref<512xi32, #tpu.memory_space<vmem>>)
      tpu.yield
    }) : () -> ()
    "tpu.region"() ({
      %run_scoped3A = tpu.sem_alloc : memref<!tpu.dma_semaphore, #tpu.memory_space<semaphore_mem>>
      %dma_start3A_17 = arith.constant 0 : i32
      %dma_start3A_18 = tpu.memref_slice %arg5[%add3A, %dma_start3A_17] : memref<32x512xi32, #tpu.memory_space<hbm>> -> memref<1x512xi32, #tpu.memory_space<hbm>>
      %dma_start3A_19 = tpu.memref_squeeze %dma_start3A_18 : memref<1x512xi32, #tpu.memory_space<hbm>> -> memref<512xi32, #tpu.memory_space<hbm>>
      %dma_start3A_20 = arith.constant 0 : i32
      %dma_start3A_21 = tpu.memref_slice %arg5[%add3A, %dma_start3A_20] : memref<32x512xi32, #tpu.memory_space<hbm>> -> memref<1x512xi32, #tpu.memory_space<hbm>>
      %dma_start3A_22 = tpu.memref_squeeze %dma_start3A_21 : memref<1x512xi32, #tpu.memory_space<hbm>> -> memref<512xi32, #tpu.memory_space<hbm>>
      tpu.enqueue_dma source(%dma_start3A_22 : memref<512xi32, #tpu.memory_space<hbm>>) target(%arg11 : memref<512xi32, #tpu.memory_space<vmem>>) target_semaphore(%run_scoped3A : memref<!tpu.dma_semaphore, #tpu.memory_space<semaphore_mem>>)
      %dma_wait3A_23 = arith.constant 0 : i32
      %dma_wait3A_24 = tpu.memref_slice %arg5[%add3A, %dma_wait3A_23] : memref<32x512xi32, #tpu.memory_space<hbm>> -> memref<1x512xi32, #tpu.memory_space<hbm>>
      %dma_wait3A_25 = tpu.memref_squeeze %dma_wait3A_24 : memref<1x512xi32, #tpu.memory_space<hbm>> -> memref<512xi32, #tpu.memory_space<hbm>>
      %dma_wait3A_26 = arith.constant 0 : i32
      %dma_wait3A_27 = tpu.memref_slice %arg5[%add3A, %dma_wait3A_26] : memref<32x512xi32, #tpu.memory_space<hbm>> -> memref<1x512xi32, #tpu.memory_space<hbm>>
      %dma_wait3A_28 = tpu.memref_squeeze %dma_wait3A_27 : memref<1x512xi32, #tpu.memory_space<hbm>> -> memref<512xi32, #tpu.memory_space<hbm>>
      tpu.wait_dma2 semaphore(%run_scoped3A : memref<!tpu.dma_semaphore, #tpu.memory_space<semaphore_mem>>) src(%dma_wait3A_28 : memref<512xi32, #tpu.memory_space<hbm>>) dst(%arg11 : memref<512xi32, #tpu.memory_space<vmem>>)
      tpu.yield
    }) : () -> ()
    "tpu.region"() ({
      %run_scoped3A = tpu.sem_alloc : memref<!tpu.dma_semaphore, #tpu.memory_space<semaphore_mem>>
      %dma_start3A_17 = arith.constant 0 : i32
      %dma_start3A_18 = tpu.memref_slice %arg6[%add3A, %dma_start3A_17] : memref<32x512xi32, #tpu.memory_space<hbm>> -> memref<1x512xi32, #tpu.memory_space<hbm>>
      %dma_start3A_19 = tpu.memref_squeeze %dma_start3A_18 : memref<1x512xi32, #tpu.memory_space<hbm>> -> memref<512xi32, #tpu.memory_space<hbm>>
      %dma_start3A_20 = arith.constant 0 : i32
      %dma_start3A_21 = tpu.memref_slice %arg6[%add3A, %dma_start3A_20] : memref<32x512xi32, #tpu.memory_space<hbm>> -> memref<1x512xi32, #tpu.memory_space<hbm>>
      %dma_start3A_22 = tpu.memref_squeeze %dma_start3A_21 : memref<1x512xi32, #tpu.memory_space<hbm>> -> memref<512xi32, #tpu.memory_space<hbm>>
      tpu.enqueue_dma source(%dma_start3A_22 : memref<512xi32, #tpu.memory_space<hbm>>) target(%arg12 : memref<512xi32, #tpu.memory_space<vmem>>) target_semaphore(%run_scoped3A : memref<!tpu.dma_semaphore, #tpu.memory_space<semaphore_mem>>)
      %dma_wait3A_23 = arith.constant 0 : i32
      %dma_wait3A_24 = tpu.memref_slice %arg6[%add3A, %dma_wait3A_23] : memref<32x512xi32, #tpu.memory_space<hbm>> -> memref<1x512xi32, #tpu.memory_space<hbm>>
      %dma_wait3A_25 = tpu.memref_squeeze %dma_wait3A_24 : memref<1x512xi32, #tpu.memory_space<hbm>> -> memref<512xi32, #tpu.memory_space<hbm>>
      %dma_wait3A_26 = arith.constant 0 : i32
      %dma_wait3A_27 = tpu.memref_slice %arg6[%add3A, %dma_wait3A_26] : memref<32x512xi32, #tpu.memory_space<hbm>> -> memref<1x512xi32, #tpu.memory_space<hbm>>
      %dma_wait3A_28 = tpu.memref_squeeze %dma_wait3A_27 : memref<1x512xi32, #tpu.memory_space<hbm>> -> memref<512xi32, #tpu.memory_space<hbm>>
      tpu.wait_dma2 semaphore(%run_scoped3A : memref<!tpu.dma_semaphore, #tpu.memory_space<semaphore_mem>>) src(%dma_wait3A_28 : memref<512xi32, #tpu.memory_space<hbm>>) dst(%arg12 : memref<512xi32, #tpu.memory_space<vmem>>)
      tpu.yield
    }) : () -> ()
    %dma_start3A = arith.constant 0 : i32
    %dma_start3A_1 = arith.constant 0 : i32
    %dma_start3A_2 = tpu.memref_slice %arg2[%dma_start3A, %dma_start3A_1] : memref<1000000x128xf32, #tpu.memory_space<hbm>> -> memref<1000000x128xf32, #tpu.memory_space<hbm>>
    tpu.enqueue_indirect_dma source(%dma_start3A_2 : memref<1000000x128xf32, #tpu.memory_space<hbm>>) target(%arg13 : memref<512x128xf32, #tpu.memory_space<vmem>>) offsets(%arg10 : memref<512xi32, #tpu.memory_space<vmem>>) semaphore(%arg14 : memref<!tpu.dma_semaphore, #tpu.memory_space<semaphore_mem>>)
    %dma_wait3A = arith.constant 0 : i32
    %dma_wait3A_3 = arith.constant 0 : i32
    %dma_wait3A_4 = tpu.memref_slice %arg2[%dma_wait3A, %dma_wait3A_3] : memref<1000000x128xf32, #tpu.memory_space<hbm>> -> memref<1000000x128xf32, #tpu.memory_space<hbm>>
    tpu.wait_indirect_dma semaphore(%arg14 : memref<!tpu.dma_semaphore, #tpu.memory_space<semaphore_mem>>) src(%dma_wait3A_4 : memref<1000000x128xf32, #tpu.memory_space<hbm>>) dst(%arg13 : memref<512x128xf32, #tpu.memory_space<vmem>>)
    "tpu.region"() ({
      %run_scoped3A = tpu.sem_alloc : memref<!tpu.dma_semaphore, #tpu.memory_space<semaphore_mem>>
      %dma_start3A_17 = arith.constant 0 : i32
      %dma_start3A_18 = arith.constant 0 : i32
      %dma_start3A_19 = tpu.memref_slice %arg7[%add3A, %dma_start3A_17, %dma_start3A_18] : memref<32x512x128xf32, #tpu.memory_space<hbm>> -> memref<1x512x128xf32, #tpu.memory_space<hbm>>
      %dma_start3A_20 = tpu.memref_squeeze %dma_start3A_19 : memref<1x512x128xf32, #tpu.memory_space<hbm>> -> memref<512x128xf32, #tpu.memory_space<hbm>>
      %dma_start3A_21 = arith.constant 0 : i32
      %dma_start3A_22 = arith.constant 0 : i32
      %dma_start3A_23 = tpu.memref_slice %arg7[%add3A, %dma_start3A_21, %dma_start3A_22] : memref<32x512x128xf32, #tpu.memory_space<hbm>> -> memref<1x512x128xf32, #tpu.memory_space<hbm>>
      %dma_start3A_24 = tpu.memref_squeeze %dma_start3A_23 : memref<1x512x128xf32, #tpu.memory_space<hbm>> -> memref<512x128xf32, #tpu.memory_space<hbm>>
      tpu.enqueue_dma source(%arg13 : memref<512x128xf32, #tpu.memory_space<vmem>>) target(%dma_start3A_24 : memref<512x128xf32, #tpu.memory_space<hbm>>) target_semaphore(%run_scoped3A : memref<!tpu.dma_semaphore, #tpu.memory_space<semaphore_mem>>)
      %dma_wait3A_25 = arith.constant 0 : i32
      %dma_wait3A_26 = arith.constant 0 : i32
      %dma_wait3A_27 = tpu.memref_slice %arg7[%add3A, %dma_wait3A_25, %dma_wait3A_26] : memref<32x512x128xf32, #tpu.memory_space<hbm>> -> memref<1x512x128xf32, #tpu.memory_space<hbm>>
      %dma_wait3A_28 = tpu.memref_squeeze %dma_wait3A_27 : memref<1x512x128xf32, #tpu.memory_space<hbm>> -> memref<512x128xf32, #tpu.memory_space<hbm>>
      %dma_wait3A_29 = arith.constant 0 : i32
      %dma_wait3A_30 = arith.constant 0 : i32
      %dma_wait3A_31 = tpu.memref_slice %arg7[%add3A, %dma_wait3A_29, %dma_wait3A_30] : memref<32x512x128xf32, #tpu.memory_space<hbm>> -> memref<1x512x128xf32, #tpu.memory_space<hbm>>
      %dma_wait3A_32 = tpu.memref_squeeze %dma_wait3A_31 : memref<1x512x128xf32, #tpu.memory_space<hbm>> -> memref<512x128xf32, #tpu.memory_space<hbm>>
      tpu.wait_dma2 semaphore(%run_scoped3A : memref<!tpu.dma_semaphore, #tpu.memory_space<semaphore_mem>>) src(%arg13 : memref<512x128xf32, #tpu.memory_space<vmem>>) dst(%dma_wait3A_32 : memref<512x128xf32, #tpu.memory_space<hbm>>)
      tpu.yield
    }) : () -> ()
    %dma_start3A_5 = arith.constant 0 : i32
    %dma_start3A_6 = arith.constant 0 : i32
    %dma_start3A_7 = tpu.memref_slice %arg2[%dma_start3A_5, %dma_start3A_6] : memref<1000000x128xf32, #tpu.memory_space<hbm>> -> memref<1000000x128xf32, #tpu.memory_space<hbm>>
    tpu.enqueue_indirect_dma source(%dma_start3A_7 : memref<1000000x128xf32, #tpu.memory_space<hbm>>) target(%arg13 : memref<512x128xf32, #tpu.memory_space<vmem>>) offsets(%arg11 : memref<512xi32, #tpu.memory_space<vmem>>) semaphore(%arg14 : memref<!tpu.dma_semaphore, #tpu.memory_space<semaphore_mem>>)
    %dma_wait3A_8 = arith.constant 0 : i32
    %dma_wait3A_9 = arith.constant 0 : i32
    %dma_wait3A_10 = tpu.memref_slice %arg2[%dma_wait3A_8, %dma_wait3A_9] : memref<1000000x128xf32, #tpu.memory_space<hbm>> -> memref<1000000x128xf32, #tpu.memory_space<hbm>>
    tpu.wait_indirect_dma semaphore(%arg14 : memref<!tpu.dma_semaphore, #tpu.memory_space<semaphore_mem>>) src(%dma_wait3A_10 : memref<1000000x128xf32, #tpu.memory_space<hbm>>) dst(%arg13 : memref<512x128xf32, #tpu.memory_space<vmem>>)
    "tpu.region"() ({
      %run_scoped3A = tpu.sem_alloc : memref<!tpu.dma_semaphore, #tpu.memory_space<semaphore_mem>>
      %dma_start3A_17 = arith.constant 0 : i32
      %dma_start3A_18 = arith.constant 0 : i32
      %dma_start3A_19 = tpu.memref_slice %arg8[%add3A, %dma_start3A_17, %dma_start3A_18] : memref<32x512x128xf32, #tpu.memory_space<hbm>> -> memref<1x512x128xf32, #tpu.memory_space<hbm>>
      %dma_start3A_20 = tpu.memref_squeeze %dma_start3A_19 : memref<1x512x128xf32, #tpu.memory_space<hbm>> -> memref<512x128xf32, #tpu.memory_space<hbm>>
      %dma_start3A_21 = arith.constant 0 : i32
      %dma_start3A_22 = arith.constant 0 : i32
      %dma_start3A_23 = tpu.memref_slice %arg8[%add3A, %dma_start3A_21, %dma_start3A_22] : memref<32x512x128xf32, #tpu.memory_space<hbm>> -> memref<1x512x128xf32, #tpu.memory_space<hbm>>
      %dma_start3A_24 = tpu.memref_squeeze %dma_start3A_23 : memref<1x512x128xf32, #tpu.memory_space<hbm>> -> memref<512x128xf32, #tpu.memory_space<hbm>>
      tpu.enqueue_dma source(%arg13 : memref<512x128xf32, #tpu.memory_space<vmem>>) target(%dma_start3A_24 : memref<512x128xf32, #tpu.memory_space<hbm>>) target_semaphore(%run_scoped3A : memref<!tpu.dma_semaphore, #tpu.memory_space<semaphore_mem>>)
      %dma_wait3A_25 = arith.constant 0 : i32
      %dma_wait3A_26 = arith.constant 0 : i32
      %dma_wait3A_27 = tpu.memref_slice %arg8[%add3A, %dma_wait3A_25, %dma_wait3A_26] : memref<32x512x128xf32, #tpu.memory_space<hbm>> -> memref<1x512x128xf32, #tpu.memory_space<hbm>>
      %dma_wait3A_28 = tpu.memref_squeeze %dma_wait3A_27 : memref<1x512x128xf32, #tpu.memory_space<hbm>> -> memref<512x128xf32, #tpu.memory_space<hbm>>
      %dma_wait3A_29 = arith.constant 0 : i32
      %dma_wait3A_30 = arith.constant 0 : i32
      %dma_wait3A_31 = tpu.memref_slice %arg8[%add3A, %dma_wait3A_29, %dma_wait3A_30] : memref<32x512x128xf32, #tpu.memory_space<hbm>> -> memref<1x512x128xf32, #tpu.memory_space<hbm>>
      %dma_wait3A_32 = tpu.memref_squeeze %dma_wait3A_31 : memref<1x512x128xf32, #tpu.memory_space<hbm>> -> memref<512x128xf32, #tpu.memory_space<hbm>>
      tpu.wait_dma2 semaphore(%run_scoped3A : memref<!tpu.dma_semaphore, #tpu.memory_space<semaphore_mem>>) src(%arg13 : memref<512x128xf32, #tpu.memory_space<vmem>>) dst(%dma_wait3A_32 : memref<512x128xf32, #tpu.memory_space<hbm>>)
      tpu.yield
    }) : () -> ()
    %dma_start3A_11 = arith.constant 0 : i32
    %dma_start3A_12 = arith.constant 0 : i32
    %dma_start3A_13 = tpu.memref_slice %arg3[%dma_start3A_11, %dma_start3A_12] : memref<1000x128xf32, #tpu.memory_space<hbm>> -> memref<1000x128xf32, #tpu.memory_space<hbm>>
    tpu.enqueue_indirect_dma source(%dma_start3A_13 : memref<1000x128xf32, #tpu.memory_space<hbm>>) target(%arg13 : memref<512x128xf32, #tpu.memory_space<vmem>>) offsets(%arg12 : memref<512xi32, #tpu.memory_space<vmem>>) semaphore(%arg14 : memref<!tpu.dma_semaphore, #tpu.memory_space<semaphore_mem>>)
    %dma_wait3A_14 = arith.constant 0 : i32
    %dma_wait3A_15 = arith.constant 0 : i32
    %dma_wait3A_16 = tpu.memref_slice %arg3[%dma_wait3A_14, %dma_wait3A_15] : memref<1000x128xf32, #tpu.memory_space<hbm>> -> memref<1000x128xf32, #tpu.memory_space<hbm>>
    tpu.wait_indirect_dma semaphore(%arg14 : memref<!tpu.dma_semaphore, #tpu.memory_space<semaphore_mem>>) src(%dma_wait3A_16 : memref<1000x128xf32, #tpu.memory_space<hbm>>) dst(%arg13 : memref<512x128xf32, #tpu.memory_space<vmem>>)
    "tpu.region"() ({
      %run_scoped3A = tpu.sem_alloc : memref<!tpu.dma_semaphore, #tpu.memory_space<semaphore_mem>>
      %dma_start3A_17 = arith.constant 0 : i32
      %dma_start3A_18 = arith.constant 0 : i32
      %dma_start3A_19 = tpu.memref_slice %arg9[%add3A, %dma_start3A_17, %dma_start3A_18] : memref<32x512x128xf32, #tpu.memory_space<hbm>> -> memref<1x512x128xf32, #tpu.memory_space<hbm>>
      %dma_start3A_20 = tpu.memref_squeeze %dma_start3A_19 : memref<1x512x128xf32, #tpu.memory_space<hbm>> -> memref<512x128xf32, #tpu.memory_space<hbm>>
      %dma_start3A_21 = arith.constant 0 : i32
      %dma_start3A_22 = arith.constant 0 : i32
      %dma_start3A_23 = tpu.memref_slice %arg9[%add3A, %dma_start3A_21, %dma_start3A_22] : memref<32x512x128xf32, #tpu.memory_space<hbm>> -> memref<1x512x128xf32, #tpu.memory_space<hbm>>
      %dma_start3A_24 = tpu.memref_squeeze %dma_start3A_23 : memref<1x512x128xf32, #tpu.memory_space<hbm>> -> memref<512x128xf32, #tpu.memory_space<hbm>>
      tpu.enqueue_dma source(%arg13 : memref<512x128xf32, #tpu.memory_space<vmem>>) target(%dma_start3A_24 : memref<512x128xf32, #tpu.memory_space<hbm>>) target_semaphore(%run_scoped3A : memref<!tpu.dma_semaphore, #tpu.memory_space<semaphore_mem>>)
      %dma_wait3A_25 = arith.constant 0 : i32
      %dma_wait3A_26 = arith.constant 0 : i32
      %dma_wait3A_27 = tpu.memref_slice %arg9[%add3A, %dma_wait3A_25, %dma_wait3A_26] : memref<32x512x128xf32, #tpu.memory_space<hbm>> -> memref<1x512x128xf32, #tpu.memory_space<hbm>>
      %dma_wait3A_28 = tpu.memref_squeeze %dma_wait3A_27 : memref<1x512x128xf32, #tpu.memory_space<hbm>> -> memref<512x128xf32, #tpu.memory_space<hbm>>
      %dma_wait3A_29 = arith.constant 0 : i32
      %dma_wait3A_30 = arith.constant 0 : i32
      %dma_wait3A_31 = tpu.memref_slice %arg9[%add3A, %dma_wait3A_29, %dma_wait3A_30] : memref<32x512x128xf32, #tpu.memory_space<hbm>> -> memref<1x512x128xf32, #tpu.memory_space<hbm>>
      %dma_wait3A_32 = tpu.memref_squeeze %dma_wait3A_31 : memref<1x512x128xf32, #tpu.memory_space<hbm>> -> memref<512x128xf32, #tpu.memory_space<hbm>>
      tpu.wait_dma2 semaphore(%run_scoped3A : memref<!tpu.dma_semaphore, #tpu.memory_space<semaphore_mem>>) src(%arg13 : memref<512x128xf32, #tpu.memory_space<vmem>>) dst(%dma_wait3A_32 : memref<512x128xf32, #tpu.memory_space<hbm>>)
      tpu.yield
    }) : () -> ()
    return
  }
}

module attributes {stable_mosaic.version = 14 : i64} {
  func.func @body(%arg0: i32, %arg1: memref<32x8192xf32, #tpu.memory_space<vmem>>, %arg2: memref<32x32xf32, #tpu.memory_space<vmem>>, %arg3: memref<8192x128xf32, #tpu.memory_space<vmem>>) attributes {dimension_semantics = [#tpu.dimension_semantics<parallel>], iteration_bounds = array<i64: 123>, scalar_prefetch = 0 : i64, scratch_operands = 0 : i64, tpu.core_type = #tpu.core_type<tc>, window_params = [{transform_indices = @transform_0, window_bounds = array<i64: 32, 8192>}, {pipeline_mode = #tpu.pipeline_mode<synchronous>, transform_indices = @transform_1, window_bounds = array<i64: 32, 32>}, {transform_indices = @transform_2, window_bounds = array<i64: 8192, 128>}]} {
    %get3A = arith.constant 0 : index
    %get3A_0 = arith.constant 0 : index
    %get3A_1 = vector.load %arg1[%get3A, %get3A_0] : memref<32x8192xf32, #tpu.memory_space<vmem>>, vector<32x8192xf32>
    %get3A_2 = arith.constant 0 : index
    %get3A_3 = arith.constant 0 : index
    %get3A_4 = vector.load %arg2[%get3A_2, %get3A_3] : memref<32x32xf32, #tpu.memory_space<vmem>>, vector<32x32xf32>
    %dot_general3A = arith.constant dense<0.000000e+00> : vector<8192x32xf32>
    %dot_general3A_5 = tpu.matmul %get3A_1, %get3A_4, %dot_general3A {dimension_numbers = #tpu.dot_dimension_numbers<[0], [0], [1], [1], [0, 1, 1, 1], [], []>, transpose_lhs_hint = false} : vector<32x8192xf32>, vector<32x32xf32>, vector<8192x32xf32> -> vector<8192x32xf32>
    %swap3A = arith.constant 0 : index
    %swap3A_6 = arith.constant 0 : index
    %swap3A_7 = vector.load %arg3[%swap3A, %swap3A_6] : memref<8192x128xf32, #tpu.memory_space<vmem>>, vector<8192x32xf32>
    tpu.vector_store %arg3[%swap3A, %swap3A_6], %dot_general3A_5 {strides = array<i32>} : memref<8192x128xf32, #tpu.memory_space<vmem>>, vector<8192x32xf32>,
    return
  }
  func.func @transform_0(%arg0: i32) -> (i32, i32) {
    %c0_i32 = arith.constant 0 : i32
    %c0_i32_0 = arith.constant 0 : i32
    return %c0_i32, %arg0 : i32, i32
  }
  func.func @transform_1(%arg0: i32) -> (i32, i32) {
    %c0_i32 = arith.constant 0 : i32
    %c0_i32_0 = arith.constant 0 : i32
    %c0_i32_1 = arith.constant 0 : i32
    return %c0_i32, %c0_i32_0 : i32, i32
  }
  func.func @transform_2(%arg0: i32) -> (i32, i32) {
    %c0_i32 = arith.constant 0 : i32
    %c0_i32_0 = arith.constant 0 : i32
    return %arg0, %c0_i32 : i32, i32
  }
}

module attributes {stable_mosaic.version = 14 : i64} {
  func.func @_tc_body(%arg0: i32, %arg1: memref<1x512x128xf32, #tpu.memory_space<vmem>>, %arg2: memref<1x512x128xf32, #tpu.memory_space<vmem>>, %arg3: memref<1x512x128xf32, #tpu.memory_space<vmem>>, %arg4: memref<512x16xf32, #tpu.memory_space<vmem>>, %arg5: memref<1x512x8xi32, #tpu.memory_space<vmem>>, %arg6: memref<8x8xf32, #tpu.memory_space<vmem>>, %arg7: memref<24x8xf32, #tpu.memory_space<vmem>>, %arg8: memref<7x8xf32, #tpu.memory_space<vmem>>, %arg9: memref<88x128xf32, #tpu.memory_space<vmem>>, %arg10: memref<1x128xf32, #tpu.memory_space<vmem>>, %arg11: memref<128x128xf32, #tpu.memory_space<vmem>>, %arg12: memref<1x128xf32, #tpu.memory_space<vmem>>, %arg13: memref<40x128xf32, #tpu.memory_space<vmem>>, %arg14: memref<1x128xf32, #tpu.memory_space<vmem>>, %arg15: memref<128x128xf32, #tpu.memory_space<vmem>>, %arg16: memref<1x128xf32, #tpu.memory_space<vmem>>, %arg17: memref<512x128xf32, #tpu.memory_space<vmem>>, %arg18: memref<512x128xf32, #tpu.memory_space<vmem>>) attributes {dimension_semantics = [#tpu.dimension_semantics<parallel>], iteration_bounds = array<i64: 32>, scalar_prefetch = 0 : i64, scratch_operands = 0 : i64, tpu.core_type = #tpu.core_type<tc>, window_params = [{transform_indices = @transform_0, window_bounds = array<i64: 1, 512, 128>}, {transform_indices = @transform_1, window_bounds = array<i64: 1, 512, 128>}, {transform_indices = @transform_2, window_bounds = array<i64: 1, 512, 128>}, {transform_indices = @transform_3, window_bounds = array<i64: 512, 16>}, {transform_indices = @transform_4, window_bounds = array<i64: 1, 512, 8>}, {pipeline_mode = #tpu.pipeline_mode<synchronous>, transform_indices = @transform_5, window_bounds = array<i64: 8, 8>}, {pipeline_mode = #tpu.pipeline_mode<synchronous>, transform_indices = @transform_6, window_bounds = array<i64: 24, 8>}, {pipeline_mode = #tpu.pipeline_mode<synchronous>, transform_indices = @transform_7, window_bounds = array<i64: 7, 8>}, {pipeline_mode = #tpu.pipeline_mode<synchronous>, transform_indices = @transform_8, window_bounds = array<i64: 88, 128>}, {pipeline_mode = #tpu.pipeline_mode<synchronous>, transform_indices = @transform_9, window_bounds = array<i64: 1, 128>}, {pipeline_mode = #tpu.pipeline_mode<synchronous>, transform_indices = @transform_10, window_bounds = array<i64: 128, 128>}, {pipeline_mode = #tpu.pipeline_mode<synchronous>, transform_indices = @transform_11, window_bounds = array<i64: 1, 128>}, {pipeline_mode = #tpu.pipeline_mode<synchronous>, transform_indices = @transform_12, window_bounds = array<i64: 40, 128>}, {pipeline_mode = #tpu.pipeline_mode<synchronous>, transform_indices = @transform_13, window_bounds = array<i64: 1, 128>}, {pipeline_mode = #tpu.pipeline_mode<synchronous>, transform_indices = @transform_14, window_bounds = array<i64: 128, 128>}, {pipeline_mode = #tpu.pipeline_mode<synchronous>, transform_indices = @transform_15, window_bounds = array<i64: 1, 128>}, {transform_indices = @transform_16, window_bounds = array<i64: 512, 128>}, {transform_indices = @transform_17, window_bounds = array<i64: 512, 128>}]} {
    %get3A = arith.constant 0 : index
    %get3A_0 = arith.constant 0 : index
    %get3A_1 = arith.constant 0 : index
    %get3A_2 = vector.load %arg5[%get3A, %get3A_0, %get3A_1] : memref<1x512x8xi32, #tpu.memory_space<vmem>>, vector<1x512x8xi32>
    %get3A_3 = vector.shape_cast %get3A_2 : vector<1x512x8xi32> to vector<512x8xi32>
    %get3A_4 = arith.constant 0 : index
    %get3A_5 = arith.constant 0 : index
    %get3A_6 = vector.load %arg9[%get3A_4, %get3A_5] : memref<88x128xf32, #tpu.memory_space<vmem>>, vector<88x128xf32>
    %get3A_7 = arith.constant 0 : index
    %get3A_8 = arith.constant 0 : index
    %get3A_9 = vector.load %arg6[%get3A_7, %get3A_8] : memref<8x8xf32, #tpu.memory_space<vmem>>, vector<8x8xf32>
    %slice3A = vector.extract_strided_slice %get3A_6 {offsets = [32, 0], sizes = [8, 128], strides = [1, 1]} : vector<88x128xf32> to vector<8x128xf32>
    %dot_general3A = arith.constant dense<0.000000e+00> : vector<8x128xf32>
    %dot_general3A_10 = tpu.matmul %get3A_9, %slice3A, %dot_general3A {dimension_numbers = #tpu.dot_dimension_numbers<[1], [0], [0], [1], [0, 0, 1, 1], [], []>, transpose_lhs_hint = false} : vector<8x8xf32>, vector<8x128xf32>, vector<8x128xf32> -> vector<8x128xf32>
    %get3A_11 = arith.constant 0 : index
    %get3A_12 = arith.constant 0 : index
    %get3A_13 = vector.load %arg7[%get3A_11, %get3A_12] : memref<24x8xf32, #tpu.memory_space<vmem>>, vector<24x8xf32>
    %slice3A_14 = vector.extract_strided_slice %get3A_6 {offsets = [56, 0], sizes = [8, 128], strides = [1, 1]} : vector<88x128xf32> to vector<8x128xf32>
    %dot_general3A_15 = arith.constant dense<0.000000e+00> : vector<24x128xf32>
    %dot_general3A_16 = tpu.matmul %get3A_13, %slice3A_14, %dot_general3A_15 {dimension_numbers = #tpu.dot_dimension_numbers<[1], [0], [0], [1], [0, 0, 1, 1], [], []>, transpose_lhs_hint = false} : vector<24x8xf32>, vector<8x128xf32>, vector<24x128xf32> -> vector<24x128xf32>
    %get3A_17 = arith.constant 0 : index
    %get3A_18 = arith.constant 0 : index
    %get3A_19 = vector.load %arg8[%get3A_17, %get3A_18] : memref<7x8xf32, #tpu.memory_space<vmem>>, vector<7x8xf32>
    %slice3A_20 = vector.extract_strided_slice %get3A_6 {offsets = [64, 0], sizes = [8, 128], strides = [1, 1]} : vector<88x128xf32> to vector<8x128xf32>
    %dot_general3A_21 = arith.constant dense<0.000000e+00> : vector<7x128xf32>
    %dot_general3A_22 = tpu.matmul %get3A_19, %slice3A_20, %dot_general3A_21 {dimension_numbers = #tpu.dot_dimension_numbers<[1], [0], [0], [1], [0, 0, 1, 1], [], []>, transpose_lhs_hint = false} : vector<7x8xf32>, vector<8x128xf32>, vector<7x128xf32> -> vector<7x128xf32>
    %get3A_23 = arith.constant 0 : index
    %get3A_24 = arith.constant 0 : index
    %get3A_25 = vector.load %arg6[%get3A_23, %get3A_24] : memref<8x8xf32, #tpu.memory_space<vmem>>, vector<8x8xf32>
    %get3A_26 = arith.constant 0 : index
    %get3A_27 = arith.constant 0 : index
    %get3A_28 = vector.load %arg13[%get3A_26, %get3A_27] : memref<40x128xf32, #tpu.memory_space<vmem>>, vector<40x128xf32>
    %slice3A_29 = vector.extract_strided_slice %get3A_28 {offsets = [32, 0], sizes = [8, 128], strides = [1, 1]} : vector<40x128xf32> to vector<8x128xf32>
    %dot_general3A_30 = arith.constant dense<0.000000e+00> : vector<8x128xf32>
    %dot_general3A_31 = tpu.matmul %get3A_25, %slice3A_29, %dot_general3A_30 {dimension_numbers = #tpu.dot_dimension_numbers<[1], [0], [0], [1], [0, 0, 1, 1], [], []>, transpose_lhs_hint = false} : vector<8x8xf32>, vector<8x128xf32>, vector<8x128xf32> -> vector<8x128xf32>
    %get3A_32 = arith.constant 0 : index
    %get3A_33 = arith.constant 0 : index
    %get3A_34 = arith.constant 0 : index
    %get3A_35 = vector.load %arg1[%get3A_32, %get3A_33, %get3A_34] : memref<1x512x128xf32, #tpu.memory_space<vmem>>, vector<1x512x128xf32>
    %get3A_36 = vector.shape_cast %get3A_35 : vector<1x512x128xf32> to vector<512x128xf32>
    %slice3A_37 = vector.extract_strided_slice %get3A_36 {offsets = [0, 0], sizes = [512, 32], strides = [1, 1]} : vector<512x128xf32> to vector<512x32xf32>
    %get3A_38 = arith.constant 0 : index
    %get3A_39 = arith.constant 0 : index
    %get3A_40 = arith.constant 0 : index
    %get3A_41 = vector.load %arg2[%get3A_38, %get3A_39, %get3A_40] : memref<1x512x128xf32, #tpu.memory_space<vmem>>, vector<1x512x128xf32>
    %get3A_42 = vector.shape_cast %get3A_41 : vector<1x512x128xf32> to vector<512x128xf32>
    %slice3A_43 = vector.extract_strided_slice %get3A_42 {offsets = [0, 0], sizes = [512, 32], strides = [1, 1]} : vector<512x128xf32> to vector<512x32xf32>
    %get3A_44 = arith.constant 0 : index
    %get3A_45 = arith.constant 0 : index
    %get3A_46 = arith.constant 0 : index
    %get3A_47 = vector.load %arg3[%get3A_44, %get3A_45, %get3A_46] : memref<1x512x128xf32, #tpu.memory_space<vmem>>, vector<1x512x128xf32>
    %get3A_48 = vector.shape_cast %get3A_47 : vector<1x512x128xf32> to vector<512x128xf32>
    %slice3A_49 = vector.extract_strided_slice %get3A_48 {offsets = [0, 0], sizes = [512, 16], strides = [1, 1]} : vector<512x128xf32> to vector<512x16xf32>
    %slice3A_50 = vector.extract_strided_slice %get3A_6 {offsets = [0, 0], sizes = [32, 128], strides = [1, 1]} : vector<88x128xf32> to vector<32x128xf32>
    %dot_general3A_51 = arith.constant dense<0.000000e+00> : vector<512x128xf32>
    %dot_general3A_52 = tpu.matmul %slice3A_37, %slice3A_50, %dot_general3A_51 {dimension_numbers = #tpu.dot_dimension_numbers<[1], [0], [0], [1], [0, 0, 1, 1], [], []>, transpose_lhs_hint = false} : vector<512x32xf32>, vector<32x128xf32>, vector<512x128xf32> -> vector<512x128xf32>
    %slice3A_53 = vector.extract_strided_slice %get3A_3 {offsets = [0, 2], sizes = [512, 1], strides = [1, 1]} : vector<512x8xi32> to vector<512x1xi32>
    %iota3A = tpu.iota {dimensions = array<i32: 1>} : vector<1x8xi32>
    %eq3A = vector.broadcast %slice3A_53 : vector<512x1xi32> to vector<512x8xi32>
    %eq3A_54 = vector.broadcast %iota3A : vector<1x8xi32> to vector<512x8xi32>
    %eq3A_55 = arith.cmpi eq, %eq3A, %eq3A_54 : vector<512x8xi32>
    %convert_element_type3A = arith.extui %eq3A_55 : vector<512x8xi1> to vector<512x8xi32>
    %convert_element_type3A_56 = arith.sitofp %convert_element_type3A : vector<512x8xi32> to vector<512x8xf32>
    %dot_general3A_57 = arith.constant dense<0.000000e+00> : vector<512x128xf32>
    %dot_general3A_58 = tpu.matmul %convert_element_type3A_56, %dot_general3A_10, %dot_general3A_57 {dimension_numbers = #tpu.dot_dimension_numbers<[1], [0], [0], [1], [0, 0, 1, 1], [], []>, transpose_lhs_hint = false} : vector<512x8xf32>, vector<8x128xf32>, vector<512x128xf32> -> vector<512x128xf32>
    %add3A = arith.addf %dot_general3A_52, %dot_general3A_58 : vector<512x128xf32>
    %slice3A_59 = vector.extract_strided_slice %get3A_6 {offsets = [40, 0], sizes = [16, 128], strides = [1, 1]} : vector<88x128xf32> to vector<16x128xf32>
    %dot_general3A_60 = arith.constant dense<0.000000e+00> : vector<512x128xf32>
    %dot_general3A_61 = tpu.matmul %slice3A_49, %slice3A_59, %dot_general3A_60 {dimension_numbers = #tpu.dot_dimension_numbers<[1], [0], [0], [1], [0, 0, 1, 1], [], []>, transpose_lhs_hint = false} : vector<512x16xf32>, vector<16x128xf32>, vector<512x128xf32> -> vector<512x128xf32>
    %add3A_62 = arith.addf %add3A, %dot_general3A_61 : vector<512x128xf32>
    %slice3A_63 = vector.extract_strided_slice %get3A_3 {offsets = [0, 0], sizes = [512, 1], strides = [1, 1]} : vector<512x8xi32> to vector<512x1xi32>
    %iota3A_64 = tpu.iota {dimensions = array<i32: 1>} : vector<1x24xi32>
    %eq3A_65 = vector.broadcast %slice3A_63 : vector<512x1xi32> to vector<512x24xi32>
    %eq3A_66 = vector.broadcast %iota3A_64 : vector<1x24xi32> to vector<512x24xi32>
    %eq3A_67 = arith.cmpi eq, %eq3A_65, %eq3A_66 : vector<512x24xi32>
    %convert_element_type3A_68 = arith.extui %eq3A_67 : vector<512x24xi1> to vector<512x24xi32>
    %convert_element_type3A_69 = arith.sitofp %convert_element_type3A_68 : vector<512x24xi32> to vector<512x24xf32>
    %dot_general3A_70 = arith.constant dense<0.000000e+00> : vector<512x128xf32>
    %dot_general3A_71 = tpu.matmul %convert_element_type3A_69, %dot_general3A_16, %dot_general3A_70 {dimension_numbers = #tpu.dot_dimension_numbers<[1], [0], [0], [1], [0, 0, 1, 1], [], []>, transpose_lhs_hint = false} : vector<512x24xf32>, vector<24x128xf32>, vector<512x128xf32> -> vector<512x128xf32>
    %add3A_72 = arith.addf %add3A_62, %dot_general3A_71 : vector<512x128xf32>
    %slice3A_73 = vector.extract_strided_slice %get3A_3 {offsets = [0, 1], sizes = [512, 1], strides = [1, 1]} : vector<512x8xi32> to vector<512x1xi32>
    %iota3A_74 = tpu.iota {dimensions = array<i32: 1>} : vector<1x7xi32>
    %eq3A_75 = vector.broadcast %slice3A_73 : vector<512x1xi32> to vector<512x7xi32>
    %eq3A_76 = vector.broadcast %iota3A_74 : vector<1x7xi32> to vector<512x7xi32>
    %eq3A_77 = arith.cmpi eq, %eq3A_75, %eq3A_76 : vector<512x7xi32>
    %convert_element_type3A_78 = arith.extui %eq3A_77 : vector<512x7xi1> to vector<512x7xi32>
    %convert_element_type3A_79 = arith.sitofp %convert_element_type3A_78 : vector<512x7xi32> to vector<512x7xf32>
    %dot_general3A_80 = arith.constant dense<0.000000e+00> : vector<512x128xf32>
    %dot_general3A_81 = tpu.matmul %convert_element_type3A_79, %dot_general3A_22, %dot_general3A_80 {dimension_numbers = #tpu.dot_dimension_numbers<[1], [0], [0], [1], [0, 0, 1, 1], [], []>, transpose_lhs_hint = false} : vector<512x7xf32>, vector<7x128xf32>, vector<512x128xf32> -> vector<512x128xf32>
    %add3A_82 = arith.addf %add3A_72, %dot_general3A_81 : vector<512x128xf32>
    %get3A_83 = arith.constant 0 : index
    %get3A_84 = arith.constant 0 : index
    %get3A_85 = vector.load %arg4[%get3A_83, %get3A_84] : memref<512x16xf32, #tpu.memory_space<vmem>>, vector<512x16xf32>
    %slice3A_86 = vector.extract_strided_slice %get3A_6 {offsets = [72, 0], sizes = [16, 128], strides = [1, 1]} : vector<88x128xf32> to vector<16x128xf32>
    %dot_general3A_87 = arith.constant dense<0.000000e+00> : vector<512x128xf32>
    %dot_general3A_88 = tpu.matmul %get3A_85, %slice3A_86, %dot_general3A_87 {dimension_numbers = #tpu.dot_dimension_numbers<[1], [0], [0], [1], [0, 0, 1, 1], [], []>, transpose_lhs_hint = false} : vector<512x16xf32>, vector<16x128xf32>, vector<512x128xf32> -> vector<512x128xf32>
    %add3A_89 = arith.addf %add3A_82, %dot_general3A_88 : vector<512x128xf32>
    %get3A_90 = arith.constant 0 : index
    %get3A_91 = arith.constant 0 : index
    %get3A_92 = vector.load %arg10[%get3A_90, %get3A_91] : memref<1x128xf32, #tpu.memory_space<vmem>>, vector<1x128xf32>
    %add3A_93 = vector.broadcast %get3A_92 : vector<1x128xf32> to vector<512x128xf32>
    %add3A_94 = arith.addf %add3A_89, %add3A_93 : vector<512x128xf32>
    %max3A = arith.constant 0.000000e+00 : f32
    %max3A_95 = vector.broadcast %max3A : f32 to vector<512x128xf32>
    %max3A_96 = arith.maximumf %add3A_94, %max3A_95 : vector<512x128xf32>
    %get3A_97 = arith.constant 0 : index
    %get3A_98 = arith.constant 0 : index
    %get3A_99 = vector.load %arg11[%get3A_97, %get3A_98] : memref<128x128xf32, #tpu.memory_space<vmem>>, vector<128x128xf32>
    %dot_general3A_100 = arith.constant dense<0.000000e+00> : vector<512x128xf32>
    %dot_general3A_101 = tpu.matmul %max3A_96, %get3A_99, %dot_general3A_100 {dimension_numbers = #tpu.dot_dimension_numbers<[1], [0], [0], [1], [0, 0, 1, 1], [], []>, transpose_lhs_hint = false} : vector<512x128xf32>, vector<128x128xf32>, vector<512x128xf32> -> vector<512x128xf32>
    %get3A_102 = arith.constant 0 : index
    %get3A_103 = arith.constant 0 : index
    %get3A_104 = vector.load %arg12[%get3A_102, %get3A_103] : memref<1x128xf32, #tpu.memory_space<vmem>>, vector<1x128xf32>
    %add3A_105 = vector.broadcast %get3A_104 : vector<1x128xf32> to vector<512x128xf32>
    %add3A_106 = arith.addf %dot_general3A_101, %add3A_105 : vector<512x128xf32>
    %swap3A = arith.constant 0 : index
    %swap3A_107 = arith.constant 0 : index
    %swap3A_108 = vector.load %arg17[%swap3A, %swap3A_107] : memref<512x128xf32, #tpu.memory_space<vmem>>, vector<512x128xf32>
    tpu.vector_store %arg17[%swap3A, %swap3A_107], %add3A_106 {strides = array<i32>} : memref<512x128xf32, #tpu.memory_space<vmem>>, vector<512x128xf32>,
    %get3A_109 = arith.constant 0 : index
    %get3A_110 = arith.constant 0 : index
    %get3A_111 = vector.load %arg13[%get3A_109, %get3A_110] : memref<40x128xf32, #tpu.memory_space<vmem>>, vector<40x128xf32>
    %slice3A_112 = vector.extract_strided_slice %get3A_111 {offsets = [0, 0], sizes = [32, 128], strides = [1, 1]} : vector<40x128xf32> to vector<32x128xf32>
    %dot_general3A_113 = arith.constant dense<0.000000e+00> : vector<512x128xf32>
    %dot_general3A_114 = tpu.matmul %slice3A_43, %slice3A_112, %dot_general3A_113 {dimension_numbers = #tpu.dot_dimension_numbers<[1], [0], [0], [1], [0, 0, 1, 1], [], []>, transpose_lhs_hint = false} : vector<512x32xf32>, vector<32x128xf32>, vector<512x128xf32> -> vector<512x128xf32>
    %slice3A_115 = vector.extract_strided_slice %get3A_3 {offsets = [0, 3], sizes = [512, 1], strides = [1, 1]} : vector<512x8xi32> to vector<512x1xi32>
    %iota3A_116 = tpu.iota {dimensions = array<i32: 1>} : vector<1x8xi32>
    %eq3A_117 = vector.broadcast %slice3A_115 : vector<512x1xi32> to vector<512x8xi32>
    %eq3A_118 = vector.broadcast %iota3A_116 : vector<1x8xi32> to vector<512x8xi32>
    %eq3A_119 = arith.cmpi eq, %eq3A_117, %eq3A_118 : vector<512x8xi32>
    %convert_element_type3A_120 = arith.extui %eq3A_119 : vector<512x8xi1> to vector<512x8xi32>
    %convert_element_type3A_121 = arith.sitofp %convert_element_type3A_120 : vector<512x8xi32> to vector<512x8xf32>
    %dot_general3A_122 = arith.constant dense<0.000000e+00> : vector<512x128xf32>
    %dot_general3A_123 = tpu.matmul %convert_element_type3A_121, %dot_general3A_31, %dot_general3A_122 {dimension_numbers = #tpu.dot_dimension_numbers<[1], [0], [0], [1], [0, 0, 1, 1], [], []>, transpose_lhs_hint = false} : vector<512x8xf32>, vector<8x128xf32>, vector<512x128xf32> -> vector<512x128xf32>
    %add3A_124 = arith.addf %dot_general3A_114, %dot_general3A_123 : vector<512x128xf32>
    %get3A_125 = arith.constant 0 : index
    %get3A_126 = arith.constant 0 : index
    %get3A_127 = vector.load %arg14[%get3A_125, %get3A_126] : memref<1x128xf32, #tpu.memory_space<vmem>>, vector<1x128xf32>
    %add3A_128 = vector.broadcast %get3A_127 : vector<1x128xf32> to vector<512x128xf32>
    %add3A_129 = arith.addf %add3A_124, %add3A_128 : vector<512x128xf32>
    %max3A_130 = arith.constant 0.000000e+00 : f32
    %max3A_131 = vector.broadcast %max3A_130 : f32 to vector<512x128xf32>
    %max3A_132 = arith.maximumf %add3A_129, %max3A_131 : vector<512x128xf32>
    %get3A_133 = arith.constant 0 : index
    %get3A_134 = arith.constant 0 : index
    %get3A_135 = vector.load %arg15[%get3A_133, %get3A_134] : memref<128x128xf32, #tpu.memory_space<vmem>>, vector<128x128xf32>
    %dot_general3A_136 = arith.constant dense<0.000000e+00> : vector<512x128xf32>
    %dot_general3A_137 = tpu.matmul %max3A_132, %get3A_135, %dot_general3A_136 {dimension_numbers = #tpu.dot_dimension_numbers<[1], [0], [0], [1], [0, 0, 1, 1], [], []>, transpose_lhs_hint = false} : vector<512x128xf32>, vector<128x128xf32>, vector<512x128xf32> -> vector<512x128xf32>
    %get3A_138 = arith.constant 0 : index
    %get3A_139 = arith.constant 0 : index
    %get3A_140 = vector.load %arg16[%get3A_138, %get3A_139] : memref<1x128xf32, #tpu.memory_space<vmem>>, vector<1x128xf32>
    %add3A_141 = vector.broadcast %get3A_140 : vector<1x128xf32> to vector<512x128xf32>
    %add3A_142 = arith.addf %dot_general3A_137, %add3A_141 : vector<512x128xf32>
    %swap3A_143 = arith.constant 0 : index
    %swap3A_144 = arith.constant 0 : index
    %swap3A_145 = vector.load %arg18[%swap3A_143, %swap3A_144] : memref<512x128xf32, #tpu.memory_space<vmem>>, vector<512x128xf32>
    tpu.vector_store %arg18[%swap3A_143, %swap3A_144], %add3A_142 {strides = array<i32>} : memref<512x128xf32, #tpu.memory_space<vmem>>, vector<512x128xf32>,
    return
  }
  func.func @transform_0(%arg0: i32) -> (i32, i32, i32) {
    %c0_i32 = arith.constant 0 : i32
    %c0_i32_0 = arith.constant 0 : i32
    %c0_i32_1 = arith.constant 0 : i32
    return %arg0, %c0_i32, %c0_i32_0 : i32, i32, i32
  }
  func.func @transform_1(%arg0: i32) -> (i32, i32, i32) {
    %c0_i32 = arith.constant 0 : i32
    %c0_i32_0 = arith.constant 0 : i32
    %c0_i32_1 = arith.constant 0 : i32
    return %arg0, %c0_i32, %c0_i32_0 : i32, i32, i32
  }
  func.func @transform_2(%arg0: i32) -> (i32, i32, i32) {
    %c0_i32 = arith.constant 0 : i32
    %c0_i32_0 = arith.constant 0 : i32
    %c0_i32_1 = arith.constant 0 : i32
    return %arg0, %c0_i32, %c0_i32_0 : i32, i32, i32
  }
  func.func @transform_3(%arg0: i32) -> (i32, i32) {
    %c0_i32 = arith.constant 0 : i32
    %c0_i32_0 = arith.constant 0 : i32
    return %arg0, %c0_i32 : i32, i32
  }
  func.func @transform_4(%arg0: i32) -> (i32, i32, i32) {
    %c0_i32 = arith.constant 0 : i32
    %c0_i32_0 = arith.constant 0 : i32
    %c0_i32_1 = arith.constant 0 : i32
    return %arg0, %c0_i32, %c0_i32_0 : i32, i32, i32
  }
  func.func @transform_5(%arg0: i32) -> (i32, i32) {
    %c0_i32 = arith.constant 0 : i32
    %c0_i32_0 = arith.constant 0 : i32
    %c0_i32_1 = arith.constant 0 : i32
    return %c0_i32, %c0_i32_0 : i32, i32
  }
  func.func @transform_6(%arg0: i32) -> (i32, i32) {
    %c0_i32 = arith.constant 0 : i32
    %c0_i32_0 = arith.constant 0 : i32
    %c0_i32_1 = arith.constant 0 : i32
    return %c0_i32, %c0_i32_0 : i32, i32
  }
  func.func @transform_7(%arg0: i32) -> (i32, i32) {
    %c0_i32 = arith.constant 0 : i32
    %c0_i32_0 = arith.constant 0 : i32
    %c0_i32_1 = arith.constant 0 : i32
    return %c0_i32, %c0_i32_0 : i32, i32
  }
  func.func @transform_8(%arg0: i32) -> (i32, i32) {
    %c0_i32 = arith.constant 0 : i32
    %c0_i32_0 = arith.constant 0 : i32
    %c0_i32_1 = arith.constant 0 : i32
    return %c0_i32, %c0_i32_0 : i32, i32
  }
  func.func @transform_9(%arg0: i32) -> (i32, i32) {
    %c0_i32 = arith.constant 0 : i32
    %c0_i32_0 = arith.constant 0 : i32
    %c0_i32_1 = arith.constant 0 : i32
    return %c0_i32, %c0_i32_0 : i32, i32
  }
  func.func @transform_10(%arg0: i32) -> (i32, i32) {
    %c0_i32 = arith.constant 0 : i32
    %c0_i32_0 = arith.constant 0 : i32
    %c0_i32_1 = arith.constant 0 : i32
    return %c0_i32, %c0_i32_0 : i32, i32
  }
  func.func @transform_11(%arg0: i32) -> (i32, i32) {
    %c0_i32 = arith.constant 0 : i32
    %c0_i32_0 = arith.constant 0 : i32
    %c0_i32_1 = arith.constant 0 : i32
    return %c0_i32, %c0_i32_0 : i32, i32
  }
  func.func @transform_12(%arg0: i32) -> (i32, i32) {
    %c0_i32 = arith.constant 0 : i32
    %c0_i32_0 = arith.constant 0 : i32
    %c0_i32_1 = arith.constant 0 : i32
    return %c0_i32, %c0_i32_0 : i32, i32
  }
  func.func @transform_13(%arg0: i32) -> (i32, i32) {
    %c0_i32 = arith.constant 0 : i32
    %c0_i32_0 = arith.constant 0 : i32
    %c0_i32_1 = arith.constant 0 : i32
    return %c0_i32, %c0_i32_0 : i32, i32
  }
  func.func @transform_14(%arg0: i32) -> (i32, i32) {
    %c0_i32 = arith.constant 0 : i32
    %c0_i32_0 = arith.constant 0 : i32
    %c0_i32_1 = arith.constant 0 : i32
    return %c0_i32, %c0_i32_0 : i32, i32
  }
  func.func @transform_15(%arg0: i32) -> (i32, i32) {
    %c0_i32 = arith.constant 0 : i32
    %c0_i32_0 = arith.constant 0 : i32
    %c0_i32_1 = arith.constant 0 : i32
    return %c0_i32, %c0_i32_0 : i32, i32
  }
  func.func @transform_16(%arg0: i32) -> (i32, i32) {
    %c0_i32 = arith.constant 0 : i32
    %c0_i32_0 = arith.constant 0 : i32
    return %arg0, %c0_i32 : i32, i32
  }
  func.func @transform_17(%arg0: i32) -> (i32, i32) {
    %c0_i32 = arith.constant 0 : i32
    %c0_i32_0 = arith.constant 0 : i32
    return %arg0, %c0_i32 : i32, i32
  }
}

</mosaic_0001>

<sc_bundles>
// kernel: kernel.5.cloned.1.call-start
scs
__scs_entry_jumppad:
0x0: {  	(pc) =	sbr.rel $0x88, $3  }
0x1: {  	(tag) =	ssettag $0x0;
	lr =	simm.s32 $0x1  }
0x2: {  	[smem:$0x3F90] =	sst lr;
	_ =	strace $0xD0000000  }
0x3: {  	_ = 	snop  }
0x4: {  	_ = 	snop  }
0x5: {  	_ = 	snop  }
0x6: {  	_ = 	snop  }
0x7: {  	_ = 	snop  }
__scs_overlays_trampoline_lowered:
0x8: {  	[smem:$0x3F9F] =	sst s0  }
0x9: {  	[smem:$0x3FA0] =	sst s1  }
0xa: {  	[smem:$0x3FA1] =	sst s2  }
0xb: {  	[smem:$0x3FA2] =	sst s3  }
0xc: {  	[smem:$0x3FA3] =	sst s4  }
0xd: {  	[smem:$0x3FA4] =	sst s5  }
0xe: {  	[smem:$0x3FA5] =	sst s6  }
0xf: {  	[smem:$0x3FA6] =	sst s7  }
0x10: {  	[smem:$0x3FA7] =	sst s8  }
0x11: {  	[smem:$0x3FA8] =	sst s9;
	s0 =	simm.s32 @!p0 $0x0  }
0x12: {  	s1 =	sld [smem:$0x3F8E];
	s0 =	simm.s32 @p0 $0x1  }
0x13: {  	[smem:$0x3FA9] =	sst s0;
	s0 =	simm.s32 @!p1 $0x0  }
0x14: {  	s2 =	sld [smem:$0x3F8D];
	s0 =	simm.s32 @p1 $0x1  }
0x15: {  	[smem:$0x3FAA] =	sst s0;
	s0 =	simm.s32 @!p2 $0x0  }
0x16: {  	s3 =	sld [smem:$0x3FDB];
	s0 =	simm.s32 @p2 $0x1  }
0x17: {  	s4 =	simm.s32 $0x1BF5;
	[smem:$0x3FAC] =	sst s0  }
0x18: {  	s0 =	sld [smem:$0x3F8F];
	_ =	swait.ge [sflag:s4], $0x0  }
0x19: {  	s7 =	sld [smem:$0x3F90]  }
0x1a: {  	s8 =	sadd.s32 $0xFFFFE003, lr  }
0x1b: {  	s9 =	sadd.s32 $0xFFFFFEF7, lr;
	s5 =	simm.s32 $0xFFFFFFFF;
	p2 =	slt.u32 s8, $0xFFFFF086  }
0x1c: {  	p1 =	slt.u32 s9, $0xF7A;
	s5 =	simm.s32 @!p2 $0x0  }
0x1d: {  	s5 =	simm.s32 @p1 $0x1;
	p0 =	seq.s32 s7, s2  }
0x1e: {  	s7 =	smul.u32 @!p0 $0xF7A, s2;
	p2 =	seq.s32 @!p0 s5, $0x0  }
0x1f: {  	s9 =	smul.u32 $0xF7A, s1;
	s8 =	simm.s32 @!p0 $0x1BF5;
	p2 =	por !p2, p0  }
0x20: {  	[sflag:s8] =	ssyncset.s32 @!p0 $0xFFFFF086;
	s6 =	sadd.s32 @!p0 s3, s7;
	s7 =	simm.s32 @!p0 $0x108  }
0x21: {  	s3 =	sadd.s32 s3, s9;
	s6 =	sadd.s32 @!p0 $0x88, s6;
	s7 =	simm.s32 @p2 $0x1082  }
0x22: {  	[simem:s7], [sflag:s8] =	dma.local @!p0 [hbm:s6], $0xF7A  }
0x23: {  	s9 =	sor.u32 $0xD0000000, s2;
	s6 =	simm.s32 $0x108;
	_ =	swait.ge @!p0 [sflag:s8], $0x0  }
0x24: {  	s3 =	sadd.s32 $0x88, s3;
	s6 =	simm.s32 @!p1 $0x1082;
	[sflag:s4] =	ssyncset.s32 $0xFFFFF086  }
0x25: {  	[simem:s6], [sflag:s4] =	dma.local [hbm:s3], $0xF7A  }
0x26: {  	[smem:$0x3F90] =	sst s1;
	(tag) =	ssettag s2;
	_ =	strace s9  }
0x27: {  	s1 =	sld [smem:$0x3FA0]  }
0x28: {  	s2 =	sld [smem:$0x3FA1]  }
0x29: {  	s4 =	sld [smem:$0x3FA3]  }
0x2a: {  	p0 =	seq.s32 s5, $0x0;
	s5 =	sld [smem:$0x3FA4]  }
0x2b: {  	s6 =	sld [smem:$0x3FA5]  }
0x2c: {  	s7 =	sld [smem:$0x3FA6]  }
0x2d: {  	s3 =	simm.s32 $0x108;
	s8 =	sld [smem:$0x3FA7]  }
0x2e: {  	s3 =	simm.s32 @!p0 $0x1082;
	s9 =	sld [smem:$0x3FA8]  }
0x2f: {  	lr =	sadd.s32 s0, s3;
	s0 =	sld [smem:$0x3F9F]  }
0x30: {  	s3 =	sld [smem:$0x3FA2]  }
0x31: {  	[smem:$0x3FAB] =	sst s10  }
0x32: {  	s10 =	sld [smem:$0x3FA9];
	_ =	sdelay $0x3  }
0x33: {  	p0 =	seq.s32 s10, $0x1;
	s10 =	sld [smem:$0x3FAB];
	_ =	sdelay $0x3  }
0x34: {  	[smem:$0x3FAB] =	sst s10  }
0x35: {  	s10 =	sld [smem:$0x3FAA];
	_ =	sdelay $0x3  }
0x36: {  	p1 =	seq.s32 s10, $0x1;
	s10 =	sld [smem:$0x3FAB];
	_ =	sdelay $0x3  }
0x37: {  	[smem:$0x3FAB] =	sst s10  }
0x38: {  	s10 =	sld [smem:$0x3FAC]  }
0x39: {  	_ = 	snop;
	(pc) =	sbr.ind lr, $3  }
0x3a: {  	_ = 	snop  }
0x3b: {  	_ = 	snop  }
0x3c: {  	p2 =	seq.s32 s10, $0x1;
	s10 =	sld [smem:$0x3FAB]  }
0x3d: {  	_ =	shalt  }
0x3e: {  	_ =	shalt  }
0x3f: {  	_ =	shalt  }
0x40: {  	_ =	shalt  }
0x41: {  	_ =	shalt  }
0x42: {  	_ =	shalt  }
0x43: {  	_ =	shalt  }
0x44: {  	_ =	shalt  }
0x45: {  	_ =	shalt  }
0x46: {  	_ =	shalt  }
0x47: {  	_ =	shalt  }
0x48: {  	_ =	shalt  }
0x49: {  	_ =	shalt  }
0x4a: {  	_ =	shalt  }
0x4b: {  	_ =	shalt  }
0x4c: {  	_ =	shalt  }
0x4d: {  	_ =	shalt  }
0x4e: {  	_ =	shalt  }
0x4f: {  	_ =	shalt  }
0x50: {  	_ =	shalt  }
0x51: {  	_ =	shalt  }
0x52: {  	_ =	shalt  }
0x53: {  	_ =	shalt  }
0x54: {  	_ =	shalt  }
0x55: {  	_ =	shalt  }
0x56: {  	_ =	shalt  }
0x57: {  	_ =	shalt  }
0x58: {  	_ =	shalt  }
0x59: {  	_ =	shalt  }
0x5a: {  	_ =	shalt  }
0x5b: {  	_ =	shalt  }
0x5c: {  	_ =	shalt  }
0x5d: {  	_ =	shalt  }
0x5e: {  	_ =	shalt  }
0x5f: {  	_ =	shalt  }
0x60: {  	_ =	shalt  }
0x61: {  	_ =	shalt  }
0x62: {  	_ =	shalt  }
0x63: {  	_ =	shalt  }
0x64: {  	_ =	shalt  }
0x65: {  	_ =	shalt  }
0x66: {  	_ =	shalt  }
0x67: {  	_ =	shalt  }
0x68: {  	_ =	shalt  }
0x69: {  	_ =	shalt  }
0x6a: {  	_ =	shalt  }
0x6b: {  	_ =	shalt  }
0x6c: {  	_ =	shalt  }
0x6d: {  	_ =	shalt  }
0x6e: {  	_ =	shalt  }
0x6f: {  	_ =	shalt  }
0x70: {  	_ =	shalt  }
0x71: {  	_ =	shalt  }
0x72: {  	_ =	shalt  }
0x73: {  	_ =	shalt  }
0x74: {  	_ =	shalt  }
0x75: {  	_ =	shalt  }
0x76: {  	_ =	shalt  }
0x77: {  	_ =	shalt  }
0x78: {  	_ =	shalt  }
0x79: {  	_ =	shalt  }
0x7a: {  	_ =	shalt  }
0x7b: {  	_ =	shalt  }
0x7c: {  	_ =	shalt  }
0x7d: {  	_ =	shalt  }
0x7e: {  	_ =	shalt  }
0x7f: {  	_ =	shalt  }
0x80: {  	_ =	shalt  }
0x81: {  	_ =	shalt  }
0x82: {  	_ =	shalt  }
0x83: {  	_ =	shalt  }
0x84: {  	_ =	shalt  }
0x85: {  	_ =	shalt  }
0x86: {  	_ =	shalt  }
0x87: {  	_ =	shalt  }
.Lfunc_end0:
.L_simem_size_0:
called_computation_lowered:
.L_overlay_start_0:
0x88: {  	s2 =	sld [smem:$0x3FD9]  }
0x89: {  	s3 =	sld [smem:$0x3FFE];
	_ =	sdelay $0x1  }
0x8a: {  	s1 =	srdreg.scid  }
0x8b: {  	s0 =	sand.u32 $0x1, s1  }
0x8c: {  	s14 =	sshll.u32 s0, $0xA;
	s2 =	sadd.s32 s3, s2  }
0x8d: {  	s2 =	sadd.s32 s2, s14  }
0x8e: {  	[smem:$0x3FB7] =	sst s2  }
0x8f: {  	_ = 	snop  }
0x90: {  	s2 =	sld [smem:$0x3FD0];
	_ =	sdelay $0x2  }
0x91: {  	s15 =	simm.s32 $0xA;
	s4 =	simm.s32 $0x10  }
0x92: {  	[smem:s4], [sflag:s15] =	dma.local [hbm:s2], $0x1  }
0x93: {  	_ =	swait.eq [sflag:s15], $0x1  }
0x94: {  	[sflag:s15] =	ssyncset.done $0x0  }
0x95: {  	s16 =	sld [smem:$0x10];
	[sflag:s15] =	ssyncadd.s32 $0xFFFFFFFF  }
0x96: {  	s17 =	sld [smem:$0x11];
	(tm) =	ssettm $0x1  }
0x97: {  	s18 =	sld [smem:$0x3FFB];
	_ =	sdelay $0x3  }
0x98: {  	_ =	strace s18  }
0x99: {  	s4 =	sld [smem:$0x3FFC];
	_ =	sdelay $0x3  }
0x9a: {  	_ =	strace s4  }
0x9b: {  	s4 =	sld [smem:$0x3FFD];
	_ =	sdelay $0x3  }
0x9c: {  	_ =	strace s4  }
0x9d: {  	_ =	strace $0x8FFFFFFF  }
0x9e: {  	s19 =	sld [smem:$0x3FDB];
	_ =	sdelay $0x1  }
0x9f: {  	s5 =	simm.s32 $_scs_section_size  }
0xa0: {  	s6 =	simm.s32 $_size__tile_overlayer_lowered;
	s7 =	simm.s32 $_tile_overlayer_lowered  }
0xa1: {  	s22 =	simm.s32 $0x1BFF;
	s21 =	sshll.u32 s7, $0x1;
	s4 =	sadd.s32 s5, s19  }
0xa2: {  	s8 =	simm.s32 $0x0;
	s20 =	sshll.u32 s6, $0x1;
	s6 =	sadd.s32 s21, s4  }
0xa3: {  	[timem:s8], [sflag:s22] =	dma.local [hbm:s6], s20  }
0xa4: {  	_ =	swait.ge [sflag:s22], s20  }
0xa5: {  	s5 =	ssub.s32 $0x0, s20;
	[sflag:s22] =	ssyncset.done $0x0  }
0xa6: {  	[sflag:s22] =	ssyncadd.s32 s5;
	_ =	sdelay $0x1  }
0xa7: {  	s23 =	simm.s32 $0x1B8B  }
0xa8: {  	_ =	swait.ge [sflag:s23], $0x1  }
0xa9: {  	[sflag:s23] =	ssyncset.done $0x0  }
0xaa: {  	s25 =	simm.s32 $0x1B8E;
	s24 =	sld [smem:$0x3FFE];
	[sflag:s23] =	ssyncadd.s32 $0xFFFFFFFF  }
0xab: {  	s26 =	simm.s32 $execute0_lowered;
	[smem:$0x3FD2] =	sst s25  }
0xac: {  	s6 =	sshll.u32 s26, $0x1;
	_ =	strace $0x80000046;
	[dreg:$0x1] =	wrdreg $0xFFFFFFFF  }
0xad: {  	s28 =	simm.s32 $_size_execute0_lowered;
	s4 =	sadd.s32 s4, s6;
	[dreg:$0x0] =	wrdreg $0x0  }
0xae: {  	s6 =	sshll.u32 s28, $0x1;
	[dreg:$0x2] =	wrdreg s4  }
0xaf: {  	[dreg:$0x3] =	wrdreg s6  }
0xb0: {  	[dreg:$0x4] =	wrdreg $0xC0  }
0xb1: {  	_ =	task [dreg:s8], $0x5FFFF  }
0xb2: {  	[dreg:$0x1] =	wrdreg $0xFFFFFFFF  }
0xb3: {  	[dreg:$0x0] =	wrdreg $0x60  }
0xb4: {  	[dreg:$0x2] =	wrdreg s24  }
0xb5: {  	[dreg:$0x3] =	wrdreg s17  }
0xb6: {  	[dreg:$0x4] =	wrdreg s16  }
0xb7: {  	[dreg:$0x5] =	wrdreg $0x9  }
0xb8: {  	_ =	task.clear_ibuf [dreg:s8], $0x6FFFF;
	_ =	strace $0x90000046  }
0xb9: {  	s29 =	simm.s32 $0x9;
	_ =	strace $0x80000048  }
0xba: {  	_ =	swait.ge [sflag:s29], $0x1  }
0xbb: {  	[sflag:s29] =	ssyncadd.s32 $0xFFFFFFFF  }
0xbc: {  	_ =	strace $0x90000048  }
0xbd: {  	_ =	sfence  }
0xbe: {  	s30 =	sld [smem:$0x0];
	_ =	sdelay $0x2  }
0xbf: {  	s31 =	sshll.u32 s1, $0xD;
	s1 =	sshrl.u32 s1, $0x2  }
0xc0: {  	s3 =	sand.u32 $0x4000, s31;
	s1 =	sadd.s32 s1, s30  }
0xc1: {  	s0 =	sor.u32 s3, s0;
	s1 =	sshll.u32 s1, $0x11  }
0xc2: {  	s0 =	sor.u32 s1, s0  }
0xc3: {  	s0 =	sadd.s32 $0x8F2B, s0  }
0xc4: {  	[sflag:s0] =	ssyncadd.remote.s32 $0x1  }
0xc5: {  	_ =	sfence.sel $0xFFFF  }
0xc6: {  	[dreg:$0x0] =	wrdreg $0xFFFFFFFF;
	(pc) =	sbr.abs _section_cstart, $3  }
0xc7: {  	[dreg:$0x1] =	wrdreg $0xFFFFFFFF  }
0xc8: {  	_ =	task.clear_ibuf [dreg:s8], $0x2FFFF;
	_ =	strace $0x9FFFFFFF  }
0xc9: {  	(tm) =	ssettm $0x7FFFFFFF  }
tec
execute0_lowered:
.L_overlay_start_1:
0x0: {  	(tag) =	ssettag $0x1  }
0x1: {  	s1 =	srdreg.scid;
	s0 =	stileid.u32  }
0x2: {  	s16 =	sand.u32 $0x1, s1;
	s28 =	sshll.u32 s0, $0x1  }
0x3: {  	s17 =	rddreg [dreg:$0x0];
	s13 =	sor.u32 s16, s28  }
0x4: {  	s14 =	rddreg [dreg:$0x1];
	s29 =	sshll.u32 s0, $0x7;
	s2 =	sshll.u32 s13, $0x4  }
0x5: {  	s15 =	rddreg [dreg:$0x2];
	s4 =	simm.s32 $0x80;
	s3 =	sor.u32 s29, s2  }
0x6: {  	s6 =	simm.s32 $0x400;
	s2 =	simm.s32 $0x0;
	s3 =	sand.u32 $0x670, s3  }
0x7: {  	s5 =	simm.s32 $0x2;
	[smem:$0x7FF] =	sst s2;
	s9 =	sadd.s32 s3, s17  }
0x8: {  	s1 =	rddreg [dreg:$0x3];
	_ =	strace $0x80000047;
	s3 =	sadd.s32 $0x4000, s9  }
0x9: {  	[tilespmem:s2], [sflag:$0x2] =	stream.strided.gather [hbm4b:s3+s4], $0x200, s6, s4, $0x38;
	[tilespmem:$0x10600] =	vst v63  }
0xa: {  	_ =	swait.ge [sflag:s5], $0x200  }
0xb: {  	[sflag:s5] =	ssyncset.done $0x0  }
0xc: {  	s8 =	simm.s32 $0x200;
	s7 =	sadd.s32 $0x2800, s9;
	[sflag:s5] =	ssyncadd.s32 $0xFFFFFE00  }
0xd: {  	[tilespmem:s8], [sflag:$0x2] =	stream.strided.gather [hbm4b:s7+s4], $0x200, s6, s4, $0x38;
	[tilespmem:$0x10600] =	vst v63  }
0xe: {  	_ =	swait.ge [sflag:s5], $0x200  }
0xf: {  	[sflag:s5] =	ssyncset.done $0x0  }
0x10: {  	s9 =	sadd.s32 $0x3000, s9;
	[sflag:s5] =	ssyncadd.s32 $0xFFFFFE00  }
0x11: {  	[tilespmem:s6], [sflag:$0x2] =	stream.strided.gather [hbm4b:s9+s4], $0x200, s6, s4, $0x38;
	[tilespmem:$0x10600] =	vst v63  }
0x12: {  	_ =	swait.ge [sflag:s5], $0x200  }
0x13: {  	s11 =	simm.s32 $0x600;
	[sflag:s5] =	ssyncset.done $0x0  }
0x14: {  	s12 =	simm.s32 $0x1;
	s10 =	sadd.s32 $0x4800, s17;
	[sflag:s5] =	ssyncadd.s32 $0xFFFFFE00  }
0x15: {  	[tilespmem:s11], [sflag:$0x1] =	stream.indirect.gather [hbm4b:s10+s8], $0x80, s2, s8, $0xb8;
	[tilespmem:$0x10600] =	vst v63  }
0x16: {  	_ =	swait.ge [sflag:s12], $0x10000  }
0x17: {  	s18 =	sshll.u32 s13, $0xD;
	[sflag:s12] =	ssyncset.done $0x0  }
0x18: {  	s13 =	sadd.s32 s14, s18;
	[sflag:s12] =	ssyncadd.s32 $0xFFFF0000  }
0x19: {  	[hbm4b:s13+s2] =	stream.linear.scatter [tilespmem:s11], [sflag:$0x2], $0x10000, $0x38;
	[tilespmem:$0x10600] =	vst v63  }
0x1a: {  	_ =	swait.ge [sflag:s5], $0x10000  }
0x1b: {  	[sflag:s5] =	ssyncset.done $0x0  }
0x1c: {  	[sflag:s5] =	ssyncadd.s32 $0xFFFF0000  }
0x1d: {  	[tilespmem:s11], [sflag:$0x1] =	stream.indirect.gather [hbm4b:s10+s8], $0x80, s8, s8, $0xb8;
	[tilespmem:$0x10600] =	vst v63  }
0x1e: {  	_ =	swait.ge [sflag:s12], $0x10000  }
0x1f: {  	[sflag:s12] =	ssyncset.done $0x0  }
0x20: {  	s16 =	ssub.s32 $0x2, s16;
	s14 =	sadd.s32 s15, s18;
	[sflag:s12] =	ssyncadd.s32 $0xFFFF0000  }
0x21: {  	[hbm4b:s14+s2] =	stream.linear.scatter [tilespmem:s11], [sflag:$0x2], $0x10000, $0x38;
	[tilespmem:$0x10600] =	vst v63  }
0x22: {  	s19 =	sshrl.u32 s16, $0x1;
	_ =	swait.ge [sflag:s5], $0x10000  }
0x23: {  	s30 =	ssub.s32 s16, s19;
	[sflag:s5] =	ssyncset.done $0x0  }
0x24: {  	s15 =	sadd.s32 $0xF46C00, s17;
	s31 =	smax.u32 s30, $0x1;
	[sflag:s5] =	ssyncadd.s32 $0xFFFF0000  }
0x25: {  	[tilespmem:s11], [sflag:$0x1] =	stream.indirect.gather [hbm4b:s15+s8], $0x80, s6, s8, $0xb8;
	[tilespmem:$0x10600] =	vst v63  }
0x26: {  	p0 =	sne.s32 s31, $0x1;
	_ =	swait.ge [sflag:s12], $0x10000  }
.Ltmp0:
0x27: {  	s17 =	sadd.s32 s18, s17;
	[sflag:s12] =	ssyncset.done $0x0;
	(pc) =	sbr.rel @!p0 .LBB2_2-.Ltmp0, $4  }
0x28: {  	s16 =	sadd.s32 $0xF4AC00, s17;
	[sflag:s12] =	ssyncadd.s32 $0xFFFF0000  }
0x29: {  	[hbm4b:s16+s2] =	stream.linear.scatter [tilespmem:s11], [sflag:$0x2], $0x10000, $0x38;
	[tilespmem:$0x10600] =	vst v63  }
0x2a: {  	_ =	swait.ge [sflag:s5], $0x10000  }
0x2b: {  	s17 =	sadd.s32 $0xFFFFFFFF, s31;
	[sflag:s5] =	ssyncset.done $0x0  }
.LBB2_1:
0x2c: {  	p0 =	sne.s32 s17, $0x1;
	s17 =	sadd.s32 $0xFFFFFFFF, s17;
	[sflag:s5] =	ssyncadd.s32 $0xFFFF0000  }
0x2d: {  	[tilespmem:s2], [sflag:$0x2] =	stream.strided.gather [hbm4b:s3+s4], $0x200, s6, s4, $0x38;
	[tilespmem:$0x10600] =	vst v63  }
0x2e: {  	_ =	swait.ge [sflag:s5], $0x200  }
0x2f: {  	[sflag:s5] =	ssyncset.done $0x0  }
0x30: {  	[sflag:s5] =	ssyncadd.s32 $0xFFFFFE00  }
0x31: {  	[tilespmem:s8], [sflag:$0x2] =	stream.strided.gather [hbm4b:s7+s4], $0x200, s6, s4, $0x38;
	[tilespmem:$0x10600] =	vst v63  }
0x32: {  	_ =	swait.ge [sflag:s5], $0x200  }
0x33: {  	[sflag:s5] =	ssyncset.done $0x0  }
0x34: {  	[sflag:s5] =	ssyncadd.s32 $0xFFFFFE00  }
0x35: {  	[tilespmem:s6], [sflag:$0x2] =	stream.strided.gather [hbm4b:s9+s4], $0x200, s6, s4, $0x38;
	[tilespmem:$0x10600] =	vst v63  }
0x36: {  	_ =	swait.ge [sflag:s5], $0x200  }
0x37: {  	[sflag:s5] =	ssyncset.done $0x0  }
0x38: {  	[sflag:s5] =	ssyncadd.s32 $0xFFFFFE00  }
0x39: {  	[tilespmem:s11], [sflag:$0x1] =	stream.indirect.gather [hbm4b:s10+s8], $0x80, s2, s8, $0xb8;
	[tilespmem:$0x10600] =	vst v63  }
0x3a: {  	_ =	swait.ge [sflag:s12], $0x10000  }
0x3b: {  	[sflag:s12] =	ssyncset.done $0x0  }
0x3c: {  	[sflag:s12] =	ssyncadd.s32 $0xFFFF0000  }
0x3d: {  	[hbm4b:s13+s2] =	stream.linear.scatter [tilespmem:s11], [sflag:$0x2], $0x10000, $0x38;
	[tilespmem:$0x10600] =	vst v63  }
0x3e: {  	_ =	swait.ge [sflag:s5], $0x10000  }
0x3f: {  	[sflag:s5] =	ssyncset.done $0x0  }
0x40: {  	[sflag:s5] =	ssyncadd.s32 $0xFFFF0000  }
0x41: {  	[tilespmem:s11], [sflag:$0x1] =	stream.indirect.gather [hbm4b:s10+s8], $0x80, s8, s8, $0xb8;
	[tilespmem:$0x10600] =	vst v63  }
0x42: {  	_ =	swait.ge [sflag:s12], $0x10000  }
0x43: {  	[sflag:s12] =	ssyncset.done $0x0  }
0x44: {  	[sflag:s12] =	ssyncadd.s32 $0xFFFF0000  }
0x45: {  	[hbm4b:s14+s2] =	stream.linear.scatter [tilespmem:s11], [sflag:$0x2], $0x10000, $0x38;
	[tilespmem:$0x10600] =	vst v63  }
0x46: {  	_ =	swait.ge [sflag:s5], $0x10000  }
0x47: {  	[sflag:s5] =	ssyncset.done $0x0  }
0x48: {  	[sflag:s5] =	ssyncadd.s32 $0xFFFF0000  }
0x49: {  	[tilespmem:s11], [sflag:$0x1] =	stream.indirect.gather [hbm4b:s15+s8], $0x80, s6, s8, $0xb8;
	[tilespmem:$0x10600] =	vst v63  }
0x4a: {  	_ =	swait.ge [sflag:s12], $0x10000  }
.Ltmp1:
0x4b: {  	[sflag:s12] =	ssyncset.done $0x0;
	(pc) =	sbr.rel @p0 .LBB2_1-.Ltmp1, $4  }
0x4c: {  	[sflag:s12] =	ssyncadd.s32 $0xFFFF0000  }
0x4d: {  	[hbm4b:s16+s2] =	stream.linear.scatter [tilespmem:s11], [sflag:$0x2], $0x10000, $0x38;
	[tilespmem:$0x10600] =	vst v63  }
0x4e: {  	_ =	swait.ge [sflag:s5], $0x10000  }
0x4f: {  	[sflag:s5] =	ssyncset.done $0x0  }
.LBB2_2:
0x50: {  	[sflag:s5] =	ssyncadd.s32 $0xFFFF0000  }
0x51: {  	_ =	sfence.sel $0x180000  }
0x52: {  	[bflag:$0x0] =	sbarrier.arrive $0xFFFF  }
0x53: {  	p0 =	sne.s32 s0, $0x0;
	_ =	strace $0x90000047  }
0x54: {  	s0 =	sadd.s32 @!p0 $0x100000, s1;
	[bflag:$0x2] =	sbarrier.arrive $0xFFFF  }
0x55: {  	[sflag:s0] =	ssyncadd.tile.s32 @!p0 $0x1;
	_ =	shalt  }
.Lfunc_end2:
_tile_overlayer_lowered:
.L_overlay_start_2:
0x56: {  	(tag) =	ssettag $0x2  }
0x57: {  	s0 =	rddreg [dreg:$0x0];
	s2 =	stileid.u32  }
0x58: {  	s1 =	rddreg [dreg:$0x1];
	p0 =	sne.s32 s2, $0x0  }
0x59: {  	s3 =	rddreg [dreg:$0x2];
	[bflag:$0x3] =	sbarrier.arrive $0xFFFF;
	s2 =	simm.s32 @!p0 $0x1C02  }
0x5a: {  	[timem:s3], [sflag:s2] =	dma.local @!p0 [hbm:s0], s1  }
0x5b: {  	s0 =	simm.s32 @!p0 $0x2  }
0x5c: {  	_ =	swait.ge @!p0 [sflag:s0], s1  }
0x5d: {  	s1 =	ssub.s32 @!p0 $0x0, s1;
	[sflag:s0] =	ssyncset.done @!p0 $0x0  }
0x5e: {  	[sflag:s0] =	ssyncadd.s32 @!p0 s1  }
0x5f: {  	[bflag:$0x3] =	sbarrier.arrive $0xFFFF  }
0x60: {  	_ =	shalt  }

</sc_bundles>
